<compile_context>
chip_gen: v7x
topology: tpu7x:2x2x1
jax: 0.10.2.dev20260603
libtpu: 0.0.44.dev20260713+nightly
codegen_flags: <defaults>
</compile_context>

<pallas_src>
import functools

import jax
import jax.numpy as jnp
from jax import lax
from jax.experimental import pallas as pl
from jax.experimental.pallas import tpu as pltpu
from jax.experimental.pallas import tpu_sc as plsc

K_NN = 128
SLATE = 5
DOC_DIM = 20
N_DOCS = 1_000_000
BLK = 64
N_BLOCKS = N_DOCS // BLK
CHUNK = 8000
N_CHUNK = N_DOCS // CHUNK
BPC = CHUNK // BLK
S_SEL = 192
POOL = S_SEL * BLK
ROW_W = BLK * DOC_DIM

_NC, _NS = 2, 16
_NW = _NC * _NS
_GATHER_ROWS = SLATE * S_SEL
_GATHER_PAD = 1024
_RPW = _GATHER_PAD // _NW




def _score_body(docs_ref, pmat_ref, ones_ref, out_ref):
    docs = docs_ref[...]
    dots = jnp.dot(docs, pmat_ref[...],
                   preferred_element_type=jnp.float32)
    cn = jnp.dot(docs * docs, ones_ref[...],
                 preferred_element_type=jnp.float32)
    s = cn + dots
    bmin = jnp.min(s.reshape(BPC, BLK, 128), axis=1)
    out_ref[...] = bmin[:, :8].T.reshape(1, 8, BPC)


def _score(docs, pmat, ones_m):
    return pl.pallas_call(
        _score_body,
        grid=(N_CHUNK,),
        in_specs=[
            pl.BlockSpec((CHUNK, DOC_DIM), lambda i: (i, 0)),
            pl.BlockSpec((DOC_DIM, 128), lambda i: (0, 0)),
            pl.BlockSpec((DOC_DIM, 128), lambda i: (0, 0)),
        ],
        out_specs=pl.BlockSpec((1, 8, BPC), lambda i: (i, 0, 0)),
        out_shape=jax.ShapeDtypeStruct((N_CHUNK, 8, BPC), jnp.float32),
    )(docs, pmat, ones_m)


def _select_body(bmin_ref, out_ref):
    d = bmin_ref[...]
    cpos = lax.broadcasted_iota(jnp.int32, (N_CHUNK, 8, BPC), 0)
    bpos = lax.broadcasted_iota(jnp.int32, (N_CHUNK, 8, BPC), 2)
    pos = cpos * BPC + bpos
    lane = lax.broadcasted_iota(jnp.int32, (1, 8, S_SEL), 2)

    def step(k, carry):
        m_prev, p_prev, acc = carry
        mask = (d > m_prev) | ((d == m_prev) & (pos > p_prev))
        dm = jnp.where(mask, d, jnp.inf)
        m = jnp.min(dm, axis=(0, 2), keepdims=True)
        sel = jnp.min(jnp.where(dm == m, pos, N_BLOCKS),
                      axis=(0, 2), keepdims=True).astype(jnp.int32)
        acc = acc + jnp.where(lane == k, sel, 0)
        return m, sel, acc

    m0 = jnp.full((1, 8, 1), -jnp.inf, jnp.float32)
    p0 = jnp.full((1, 8, 1), -1, jnp.int32)
    acc0 = jnp.zeros((1, 8, S_SEL), jnp.int32)
    _, _, acc = lax.fori_loop(0, S_SEL, step, (m0, p0, acc0))
    out_ref[...] = acc[0]


def _select(bmin):
    return pl.pallas_call(
        _select_body,
        out_shape=jax.ShapeDtypeStruct((8, S_SEL), jnp.int32),
    )(bmin)


def _gather_blocks_body(table_hbm, idx_hbm, out_hbm, idx_v, rows_v, sem):
    wid = lax.axis_index("s") * _NC + lax.axis_index("c")
    base = wid * _RPW
    pltpu.sync_copy(idx_hbm.at[pl.ds(base, _RPW)], idx_v)
    pltpu.async_copy(table_hbm.at[idx_v], rows_v, sem).wait()
    pltpu.sync_copy(rows_v, out_hbm.at[pl.ds(base, _RPW)])


def _gather_blocks(table, idx_full):
    gather = functools.partial(
        pl.kernel,
        out_type=jax.ShapeDtypeStruct((_GATHER_PAD, ROW_W), jnp.float32),
        mesh=plsc.VectorSubcoreMesh(core_axis_name="c", subcore_axis_name="s"),
        scratch_types=[
            pltpu.VMEM((_RPW,), jnp.int32),
            pltpu.VMEM((_RPW, ROW_W), jnp.float32),
            pltpu.SemaphoreType.DMA,
        ],
    )(_gather_blocks_body)
    return gather(table, idx_full)


_R = POOL // 128


_RA = SLATE * _R


def _extract_body(pool3_ref, proto_ref, gmat_ref, outi_ref,
                  dscr_ref, cons_ref):
    for p in range(SLATE):
        diff = (pool3_ref[pl.ds(p * _R, _R)]
                - proto_ref[pl.ds(p, 1)])
        dscr_ref[pl.ds(p * _R, _R)] = jnp.sqrt(
            jnp.sum(diff * diff, axis=2))
    cons_ref[...] = jnp.zeros((_RA, 128), jnp.float32)
    gmat = gmat_ref[...]
    lane = lax.broadcasted_iota(jnp.int32, (SLATE, 1, K_NN), 2)
    big = jnp.int32(0x7FFFFFFF)
    inf = jnp.float32(jnp.inf)

    def step(k, acc):
        dmat = dscr_ref[...].reshape(SLATE, _R, 128)
        cons = cons_ref[...].reshape(SLATE, _R, 128)
        dm = jnp.where(cons > 0, inf, dmat)
        m = jnp.min(dm, axis=(1, 2), keepdims=True)
        g = jnp.min(jnp.where(dm == m, gmat, big),
                    axis=(1, 2), keepdims=True)
        cons_ref[...] = jnp.maximum(
            cons, jnp.where((dmat == m) & (gmat == g), 1.0, 0.0)
        ).reshape(_RA, 128)
        return acc + jnp.where(lane == k, g, 0)

    acc = lax.fori_loop(0, K_NN, step,
                        jnp.zeros((SLATE, 1, K_NN), jnp.int32))
    outi_ref[...] = acc


def _extract(pool3, protos3, gmat3):
    return pl.pallas_call(
        _extract_body,
        grid=(1,),
        scratch_shapes=[
            pltpu.VMEM((_RA, 128), jnp.float32),
            pltpu.VMEM((_RA, 128), jnp.float32),
        ],
        in_specs=[
            pl.BlockSpec((_RA, 128, DOC_DIM), lambda i: (0, 0, 0)),
            pl.BlockSpec((SLATE, 1, DOC_DIM), lambda i: (0, 0, 0)),
            pl.BlockSpec((SLATE, _R, 128), lambda i: (0, 0, 0)),
        ],
        out_specs=pl.BlockSpec((SLATE, 1, K_NN), lambda i: (0, 0, 0)),
        out_shape=jax.ShapeDtypeStruct((SLATE, 1, K_NN), jnp.int32),
    )(pool3, protos3, gmat3)


def _rowgather_body(pool2_ref, outi_ref, gflat_ref, outd_ref):
    gsel = jnp.transpose(outi_ref[0])
    pm = jnp.where(gsel == gflat_ref[0], 1.0, 0.0)
    outd_ref[...] = jnp.dot(pm, pool2_ref[...],
                            preferred_element_type=jnp.float32,
                            precision=jax.lax.Precision.HIGHEST)


def _rowgather(pool2, outi, gflat3):
    return pl.pallas_call(
        _rowgather_body,
        grid=(SLATE,),
        in_specs=[
            pl.BlockSpec((POOL, DOC_DIM), lambda p: (p, 0)),
            pl.BlockSpec((1, 1, K_NN), lambda p: (p, 0, 0)),
            pl.BlockSpec((1, 1, POOL), lambda p: (p, 0, 0)),
        ],
        out_specs=pl.BlockSpec((K_NN, DOC_DIM), lambda p: (p, 0)),
        out_shape=jax.ShapeDtypeStruct((SLATE * K_NN, DOC_DIM), jnp.float32),
    )(pool2, outi, gflat3)


def kernel(input_state, candidate_docs, use_actor_policy_net,
           W1, b1, W2, b2, W3, b3):
    del use_actor_policy_net
    h = jax.nn.leaky_relu(input_state @ W1 + b1)
    h = jax.nn.leaky_relu(h @ W2 + b2)
    h = jax.nn.leaky_relu(h @ W3 + b3)
    protos = h.reshape(SLATE, DOC_DIM)

    pmat = jnp.zeros((DOC_DIM, 128), jnp.float32)
    pmat = pmat.at[:, :SLATE].set(-2.0 * protos.T)
    ones_m = jnp.ones((DOC_DIM, 128), jnp.float32)
    bmin = _score(candidate_docs, pmat, ones_m)

    sel8 = _select(bmin)
    sel = sel8[:SLATE]

    idx_full = jnp.concatenate(
        [sel.reshape(-1), jnp.arange(_GATHER_PAD - _GATHER_ROWS,
                                     dtype=jnp.int32)])
    table = candidate_docs.reshape(N_BLOCKS, ROW_W)
    gathered = _gather_blocks(table, idx_full)
    pool2 = gathered.reshape(_GATHER_PAD * BLK, DOC_DIM)
    pool3 = gathered.reshape(_GATHER_PAD * BLK // 128, 128, DOC_DIM)

    off = jnp.arange(BLK, dtype=jnp.int32)
    gidx5 = sel[:, :, None] * BLK + off[None, None, :]
    gmat3 = gidx5.reshape(SLATE, _R, 128)
    gflat3 = gidx5.reshape(SLATE, 1, POOL)

    outi = _extract(pool3, protos.reshape(SLATE, 1, DOC_DIM), gmat3)
    outd = _rowgather(pool2, outi, gflat3)
    return outd, outi.reshape(SLATE * K_NN)

# --- scband reference (transcript-rebuilt; emitter-appended) ---
"""Pipeline reference for scband-actor-agent-slate-10874857194118 (READ-ONLY COPY).

The authoritative reference and input builder live on the scoring server;
editing this copy changes nothing except your own understanding.
"""

import jax, jax.numpy as jnp
import numpy as np

K_NN = 128
SLATE = 5
DOC_DIM = 20

def setup_inputs(seed: int = 0) -> dict:
    key = jax.random.key(seed)
    ks = jax.random.split(key, 10)
    inp = {}
    inp['input_state'] = jax.random.normal(ks[0], (20,), dtype=jnp.float32)
    inp['candidate_docs'] = jax.random.normal(ks[1], (1000000, DOC_DIM), dtype=jnp.float32)
    inp['use_actor_policy_net'] = True
    # MLP params: Linear(20->1024), Linear(1024->1024), Linear(1024->slate_size*20=100)
    inp['W1'] = jax.random.normal(ks[2], (20, 1024), dtype=jnp.float32) * 0.05
    inp['b1'] = jnp.zeros((1024,), dtype=jnp.float32)
    inp['W2'] = jax.random.normal(ks[3], (1024, 1024), dtype=jnp.float32) * 0.03
    inp['b2'] = jnp.zeros((1024,), dtype=jnp.float32)
    inp['W3'] = jax.random.normal(ks[4], (1024, SLATE * DOC_DIM), dtype=jnp.float32) * 0.03
    inp['b3'] = jnp.zeros((SLATE * DOC_DIM,), dtype=jnp.float32)
    return inp

def reference(input_state, candidate_docs, use_actor_policy_net, W1, b1, W2, b2, W3, b3):
    # WolpertingerActorSlate forward: leaky_relu after every Linear (including last)
    x = jax.nn.leaky_relu(input_state @ W1 + b1)
    x = jax.nn.leaky_relu(x @ W2 + b2)
    x = jax.nn.leaky_relu(x @ W3 + b3)
    proto_slate = x.reshape(SLATE, DOC_DIM)
    cand_list = []
    idx_list = []
    for count in range(SLATE):
        proto = proto_slate[count]
        distances = jnp.linalg.norm(candidate_docs - proto[None, :], axis=1)
        indices = jnp.argsort(distances)[:K_NN]
        candidates_subset = jnp.take(candidate_docs, indices, axis=0)
        idx_list.append(indices)
        cand_list.append(candidates_subset)
    candidates_tensor = jnp.concatenate(cand_list, axis=0)
    indices_tensor = jnp.concatenate(idx_list, axis=0)
    return (candidates_tensor, indices_tensor)

if __name__ == "__main__":
    import jax
    _d = setup_inputs()
    print(jax.jit(kernel)(*tuple(_d.values())))

</pallas_src>

<mosaic_0001>
#map = affine_map<(d0, d1) -> (0, 0)>
#map1 = affine_map<(d0, d1) -> (0)>
module attributes {stable_mosaic.version = 14 : i64} {
  func.func @_gather_blocks_body(%arg0: i32, %arg1: i32, %arg2: memref<15625x1280xf32, #tpu.memory_space<hbm>>, %arg3: memref<1024xi32, #tpu.memory_space<hbm>>, %arg4: memref<1024x1280xf32, #tpu.memory_space<hbm>>, %arg5: memref<32xi32, #tpu.memory_space<vmem>>, %arg6: memref<32x1280xf32, #tpu.memory_space<vmem>>, %arg7: memref<!tpu.dma_semaphore, #tpu.memory_space<semaphore_mem>>) attributes {dimension_semantics = [#tpu.dimension_semantics<core_parallel>, #tpu.dimension_semantics<subcore_parallel>], iteration_bounds = array<i64: 2, 16>, scalar_prefetch = 0 : i64, scratch_operands = 3 : i64, tpu.core_type = #tpu.core_type<sc_vector_subcore>, window_params = [{transform_indices = #map}, {transform_indices = #map1}, {transform_indices = #map}]} {
    %mul3A = arith.constant 2 : i32
    %mul3A_0 = arith.muli %arg1, %mul3A : i32
    %add3A = arith.addi %mul3A_0, %arg0 : i32
    %mul3A_1 = arith.constant 32 : i32
    %mul3A_2 = arith.muli %add3A, %mul3A_1 : i32
    "tpu.region"() ({
      %run_scoped3A = tpu.sem_alloc : memref<!tpu.dma_semaphore, #tpu.memory_space<semaphore_mem>>
      %dma_start3A_7 = tpu.memref_slice %arg3[%mul3A_2] : memref<1024xi32, #tpu.memory_space<hbm>> -> memref<32xi32, #tpu.memory_space<hbm>>
      %dma_start3A_8 = tpu.memref_slice %arg3[%mul3A_2] : memref<1024xi32, #tpu.memory_space<hbm>> -> memref<32xi32, #tpu.memory_space<hbm>>
      tpu.enqueue_dma source(%dma_start3A_8 : memref<32xi32, #tpu.memory_space<hbm>>) target(%arg5 : memref<32xi32, #tpu.memory_space<vmem>>) target_semaphore(%run_scoped3A : memref<!tpu.dma_semaphore, #tpu.memory_space<semaphore_mem>>)
      %dma_wait3A_9 = tpu.memref_slice %arg3[%mul3A_2] : memref<1024xi32, #tpu.memory_space<hbm>> -> memref<32xi32, #tpu.memory_space<hbm>>
      %dma_wait3A_10 = tpu.memref_slice %arg3[%mul3A_2] : memref<1024xi32, #tpu.memory_space<hbm>> -> memref<32xi32, #tpu.memory_space<hbm>>
      tpu.wait_dma2 semaphore(%run_scoped3A : memref<!tpu.dma_semaphore, #tpu.memory_space<semaphore_mem>>) src(%dma_wait3A_10 : memref<32xi32, #tpu.memory_space<hbm>>) dst(%arg5 : memref<32xi32, #tpu.memory_space<vmem>>)
      tpu.yield
    }) : () -> ()
    %dma_start3A = arith.constant 0 : i32
    %dma_start3A_3 = arith.constant 0 : i32
    %dma_start3A_4 = tpu.memref_slice %arg2[%dma_start3A, %dma_start3A_3] : memref<15625x1280xf32, #tpu.memory_space<hbm>> -> memref<15625x1280xf32, #tpu.memory_space<hbm>>
    tpu.enqueue_indirect_dma source(%dma_start3A_4 : memref<15625x1280xf32, #tpu.memory_space<hbm>>) target(%arg6 : memref<32x1280xf32, #tpu.memory_space<vmem>>) offsets(%arg5 : memref<32xi32, #tpu.memory_space<vmem>>) semaphore(%arg7 : memref<!tpu.dma_semaphore, #tpu.memory_space<semaphore_mem>>)
    %dma_wait3A = arith.constant 0 : i32
    %dma_wait3A_5 = arith.constant 0 : i32
    %dma_wait3A_6 = tpu.memref_slice %arg2[%dma_wait3A, %dma_wait3A_5] : memref<15625x1280xf32, #tpu.memory_space<hbm>> -> memref<15625x1280xf32, #tpu.memory_space<hbm>>
    tpu.wait_indirect_dma semaphore(%arg7 : memref<!tpu.dma_semaphore, #tpu.memory_space<semaphore_mem>>) src(%dma_wait3A_6 : memref<15625x1280xf32, #tpu.memory_space<hbm>>) dst(%arg6 : memref<32x1280xf32, #tpu.memory_space<vmem>>)
    "tpu.region"() ({
      %run_scoped3A = tpu.sem_alloc : memref<!tpu.dma_semaphore, #tpu.memory_space<semaphore_mem>>
      %dma_start3A_7 = arith.constant 0 : i32
      %dma_start3A_8 = tpu.memref_slice %arg4[%mul3A_2, %dma_start3A_7] : memref<1024x1280xf32, #tpu.memory_space<hbm>> -> memref<32x1280xf32, #tpu.memory_space<hbm>>
      %dma_start3A_9 = arith.constant 0 : i32
      %dma_start3A_10 = tpu.memref_slice %arg4[%mul3A_2, %dma_start3A_9] : memref<1024x1280xf32, #tpu.memory_space<hbm>> -> memref<32x1280xf32, #tpu.memory_space<hbm>>
      tpu.enqueue_dma source(%arg6 : memref<32x1280xf32, #tpu.memory_space<vmem>>) target(%dma_start3A_10 : memref<32x1280xf32, #tpu.memory_space<hbm>>) target_semaphore(%run_scoped3A : memref<!tpu.dma_semaphore, #tpu.memory_space<semaphore_mem>>)
      %dma_wait3A_11 = arith.constant 0 : i32
      %dma_wait3A_12 = tpu.memref_slice %arg4[%mul3A_2, %dma_wait3A_11] : memref<1024x1280xf32, #tpu.memory_space<hbm>> -> memref<32x1280xf32, #tpu.memory_space<hbm>>
      %dma_wait3A_13 = arith.constant 0 : i32
      %dma_wait3A_14 = tpu.memref_slice %arg4[%mul3A_2, %dma_wait3A_13] : memref<1024x1280xf32, #tpu.memory_space<hbm>> -> memref<32x1280xf32, #tpu.memory_space<hbm>>
      tpu.wait_dma2 semaphore(%run_scoped3A : memref<!tpu.dma_semaphore, #tpu.memory_space<semaphore_mem>>) src(%arg6 : memref<32x1280xf32, #tpu.memory_space<vmem>>) dst(%dma_wait3A_14 : memref<32x1280xf32, #tpu.memory_space<hbm>>)
      tpu.yield
    }) : () -> ()
    return
  }
}

module attributes {stable_mosaic.version = 14 : i64} {
  func.func @_score_body(%arg0: i32, %arg1: memref<8000x20xf32, #tpu.memory_space<vmem>>, %arg2: memref<20x128xf32, #tpu.memory_space<vmem>>, %arg3: memref<20x128xf32, #tpu.memory_space<vmem>>, %arg4: memref<1x8x125xf32, #tpu.memory_space<vmem>>) attributes {dimension_semantics = [#tpu.dimension_semantics<arbitrary>], iteration_bounds = array<i64: 125>, scalar_prefetch = 0 : i64, scratch_operands = 0 : i64, tpu.core_type = #tpu.core_type<tc>, window_params = [{transform_indices = @transform_0, window_bounds = array<i64: 8000, 20>}, {pipeline_mode = #tpu.pipeline_mode<synchronous>, transform_indices = @transform_1, window_bounds = array<i64: 20, 128>}, {pipeline_mode = #tpu.pipeline_mode<synchronous>, transform_indices = @transform_2, window_bounds = array<i64: 20, 128>}, {transform_indices = @transform_3, window_bounds = array<i64: 1, 8, 125>}]} {
    %get3A = arith.constant 0 : index
    %get3A_0 = arith.constant 0 : index
    %get3A_1 = vector.load %arg1[%get3A, %get3A_0] : memref<8000x20xf32, #tpu.memory_space<vmem>>, vector<8000x20xf32>
    %get3A_2 = arith.constant 0 : index
    %get3A_3 = arith.constant 0 : index
    %get3A_4 = vector.load %arg2[%get3A_2, %get3A_3] : memref<20x128xf32, #tpu.memory_space<vmem>>, vector<20x128xf32>
    %dot_general3A = arith.constant dense<0.000000e+00> : vector<8000x128xf32>
    %dot_general3A_5 = tpu.matmul %get3A_1, %get3A_4, %dot_general3A {dimension_numbers = #tpu.dot_dimension_numbers<[1], [0], [0], [1], [0, 0, 1, 1], [], []>, transpose_lhs_hint = false} : vector<8000x20xf32>, vector<20x128xf32>, vector<8000x128xf32> -> vector<8000x128xf32>
    %mul3A = arith.mulf %get3A_1, %get3A_1 : vector<8000x20xf32>
    %get3A_6 = arith.constant 0 : index
    %get3A_7 = arith.constant 0 : index
    %get3A_8 = vector.load %arg3[%get3A_6, %get3A_7] : memref<20x128xf32, #tpu.memory_space<vmem>>, vector<20x128xf32>
    %dot_general3A_9 = arith.constant dense<0.000000e+00> : vector<8000x128xf32>
    %dot_general3A_10 = tpu.matmul %mul3A, %get3A_8, %dot_general3A_9 {dimension_numbers = #tpu.dot_dimension_numbers<[1], [0], [0], [1], [0, 0, 1, 1], [], []>, transpose_lhs_hint = false} : vector<8000x20xf32>, vector<20x128xf32>, vector<8000x128xf32> -> vector<8000x128xf32>
    %add3A = arith.addf %dot_general3A_10, %dot_general3A_5 : vector<8000x128xf32>
    %reshape3A = vector.shape_cast %add3A : vector<8000x128xf32> to vector<125x64x128xf32>
    %reduce_min3A = arith.constant dense<0x7F800000> : vector<125x128xf32>
    %reduce_min3A_11 = vector.multi_reduction <minimumf>, %reshape3A, %reduce_min3A [1] : vector<125x64x128xf32> to vector<125x128xf32>
    %slice3A = vector.extract_strided_slice %reduce_min3A_11 {offsets = [0, 0], sizes = [125, 8], strides = [1, 1]} : vector<125x128xf32> to vector<125x8xf32>
    %transpose3A = tpu.transpose %slice3A, [1, 0] : vector<125x8xf32> -> vector<8x125xf32>
    %reshape3A_12 = vector.shape_cast %transpose3A : vector<8x125xf32> to vector<1x8x125xf32>
    %swap3A = arith.constant 0 : index
    %swap3A_13 = arith.constant 0 : index
    %swap3A_14 = arith.constant 0 : index
    %swap3A_15 = vector.load %arg4[%swap3A, %swap3A_13, %swap3A_14] : memref<1x8x125xf32, #tpu.memory_space<vmem>>, vector<1x8x125xf32>
    tpu.vector_store %arg4[%swap3A, %swap3A_13, %swap3A_14], %reshape3A_12 {strides = array<i32>} : memref<1x8x125xf32, #tpu.memory_space<vmem>>, vector<1x8x125xf32>,
    return
  }
  func.func @transform_0(%arg0: i32) -> (i32, i32) {
    %c0_i32 = arith.constant 0 : i32
    %c0_i32_0 = arith.constant 0 : i32
    return %arg0, %c0_i32 : i32, i32
  }
  func.func @transform_1(%arg0: i32) -> (i32, i32) {
    %c0_i32 = arith.constant 0 : i32
    %c0_i32_0 = arith.constant 0 : i32
    %c0_i32_1 = arith.constant 0 : i32
    return %c0_i32, %c0_i32_0 : i32, i32
  }
  func.func @transform_2(%arg0: i32) -> (i32, i32) {
    %c0_i32 = arith.constant 0 : i32
    %c0_i32_0 = arith.constant 0 : i32
    %c0_i32_1 = arith.constant 0 : i32
    return %c0_i32, %c0_i32_0 : i32, i32
  }
  func.func @transform_3(%arg0: i32) -> (i32, i32, i32) {
    %c0_i32 = arith.constant 0 : i32
    %c0_i32_0 = arith.constant 0 : i32
    %c0_i32_1 = arith.constant 0 : i32
    return %arg0, %c0_i32, %c0_i32_0 : i32, i32, i32
  }
}

module attributes {stable_mosaic.version = 14 : i64} {
  func.func @_select_body(%arg0: memref<125x8x125xf32, #tpu.memory_space<vmem>>, %arg1: memref<8x192xi32, #tpu.memory_space<vmem>>) attributes {dimension_semantics = [], scalar_prefetch = 0 : i64, scratch_operands = 0 : i64, tpu.core_type = #tpu.core_type<tc>} {
    %get3A = arith.constant 0 : index
    %get3A_0 = arith.constant 0 : index
    %get3A_1 = arith.constant 0 : index
    %get3A_2 = vector.load %arg0[%get3A, %get3A_0, %get3A_1] : memref<125x8x125xf32, #tpu.memory_space<vmem>>, vector<125x8x125xf32>
    %iota3A = tpu.iota {dimensions = array<i32: 0>} : vector<125x8x125xi32>
    %iota3A_3 = tpu.iota {dimensions = array<i32: 2>} : vector<125x8x125xi32>
    %mul3A = arith.constant 125 : i32
    %mul3A_4 = vector.broadcast %mul3A : i32 to vector<125x8x125xi32>
    %mul3A_5 = arith.muli %iota3A, %mul3A_4 : vector<125x8x125xi32>
    %add3A = arith.addi %mul3A_5, %iota3A_3 : vector<125x8x125xi32>
    %iota3A_6 = tpu.iota {dimensions = array<i32: 2>} : vector<1x8x192xi32>
    %broadcast_in_dim3A = arith.constant 0xFF800000 : f32
    %broadcast_in_dim3A_7 = vector.broadcast %broadcast_in_dim3A : f32 to vector<1x8x1xf32>
    %broadcast_in_dim3A_8 = arith.constant -1 : i32
    %broadcast_in_dim3A_9 = vector.broadcast %broadcast_in_dim3A_8 : i32 to vector<1x8x1xi32>
    %broadcast_in_dim3A_10 = arith.constant 0 : i32
    %broadcast_in_dim3A_11 = vector.broadcast %broadcast_in_dim3A_10 : i32 to vector<1x8x192xi32>
    %scan3A = arith.constant 0 : i32
    %scan3A_12 = arith.constant 192 : i32
    %scan3A_13 = arith.addi %scan3A, %scan3A_12 : i32
    %scan3A_14 = arith.constant 1 : i32
    %scan3A_15:3 = scf.for %scan3A_19 = %scan3A to %scan3A_13 step %scan3A_14 iter_args(%scan3A_20 = %broadcast_in_dim3A_7, %scan3A_21 = %broadcast_in_dim3A_9, %scan3A_22 = %broadcast_in_dim3A_11) -> (vector<1x8x1xf32>, vector<1x8x1xi32>, vector<1x8x192xi32>)  : i32 {
      %gt3A = vector.broadcast %scan3A_20 : vector<1x8x1xf32> to vector<125x8x125xf32>
      %gt3A_23 = arith.cmpf ogt, %get3A_2, %gt3A : vector<125x8x125xf32>
      %eq3A = vector.broadcast %scan3A_20 : vector<1x8x1xf32> to vector<125x8x125xf32>
      %eq3A_24 = arith.cmpf oeq, %get3A_2, %eq3A : vector<125x8x125xf32>
      %gt3A_25 = vector.broadcast %scan3A_21 : vector<1x8x1xi32> to vector<125x8x125xi32>
      %gt3A_26 = arith.cmpi sgt, %add3A, %gt3A_25 : vector<125x8x125xi32>
      %and3A = arith.andi %eq3A_24, %gt3A_26 : vector<125x8x125xi1>
      %or3A = arith.ori %gt3A_23, %and3A : vector<125x8x125xi1>
      %jit3A = arith.constant 0x7F800000 : f32
      %broadcast_in_dim3A_27 = vector.broadcast %jit3A : f32 to vector<125x8x125xf32>
      %select_n3A = arith.select %or3A, %get3A_2, %broadcast_in_dim3A_27 : vector<125x8x125xi1>, vector<125x8x125xf32>
      %reduce_min3A = arith.constant dense<0x7F800000> : vector<8xf32>
      %reduce_min3A_28 = vector.multi_reduction <minimumf>, %select_n3A, %reduce_min3A [0, 2] : vector<125x8x125xf32> to vector<8xf32>
      %broadcast_in_dim3A_29 = vector.shape_cast %reduce_min3A_28 : vector<8xf32> to vector<1x8x1xf32>
      %eq3A_30 = vector.broadcast %broadcast_in_dim3A_29 : vector<1x8x1xf32> to vector<125x8x125xf32>
      %eq3A_31 = arith.cmpf oeq, %select_n3A, %eq3A_30 : vector<125x8x125xf32>
      %jit3A_32 = arith.constant 15625 : i32
      %broadcast_in_dim3A_33 = vector.broadcast %jit3A_32 : i32 to vector<125x8x125xi32>
      %select_n3A_34 = arith.select %eq3A_31, %add3A, %broadcast_in_dim3A_33 : vector<125x8x125xi1>, vector<125x8x125xi32>
      %reduce_min3A_35 = arith.constant dense<2147483647> : vector<8xi32>
      %reduce_min3A_36 = vector.multi_reduction <minsi>, %select_n3A_34, %reduce_min3A_35 [0, 2] : vector<125x8x125xi32> to vector<8xi32>
      %broadcast_in_dim3A_37 = vector.shape_cast %reduce_min3A_36 : vector<8xi32> to vector<1x8x1xi32>
      %eq3A_38 = vector.broadcast %scan3A_19 : i32 to vector<1x8x192xi32>
      %eq3A_39 = arith.cmpi eq, %iota3A_6, %eq3A_38 : vector<1x8x192xi32>
      %jit3A_40 = arith.constant 0 : i32
      %broadcast_in_dim3A_41 = vector.shape_cast %broadcast_in_dim3A_37 : vector<1x8x1xi32> to vector<1x8x1xi32>
      %broadcast_in_dim3A_42 = vector.broadcast %broadcast_in_dim3A_41 : vector<1x8x1xi32> to vector<1x8x192xi32>
      %broadcast_in_dim3A_43 = vector.broadcast %jit3A_40 : i32 to vector<1x8x192xi32>
      %select_n3A_44 = arith.select %eq3A_39, %broadcast_in_dim3A_42, %broadcast_in_dim3A_43 : vector<1x8x192xi1>, vector<1x8x192xi32>
      %add3A_45 = arith.addi %scan3A_22, %select_n3A_44 : vector<1x8x192xi32>
      scf.yield %broadcast_in_dim3A_29, %broadcast_in_dim3A_37, %add3A_45 : vector<1x8x1xf32>, vector<1x8x1xi32>, vector<1x8x192xi32>
    }
    %scan3A_16 = arith.constant 192 : i32
    %squeeze3A = vector.shape_cast %scan3A_15#2 : vector<1x8x192xi32> to vector<8x192xi32>
    %swap3A = arith.constant 0 : index
    %swap3A_17 = arith.constant 0 : index
    %swap3A_18 = vector.load %arg1[%swap3A, %swap3A_17] : memref<8x192xi32, #tpu.memory_space<vmem>>, vector<8x192xi32>
    tpu.vector_store %arg1[%swap3A, %swap3A_17], %squeeze3A {strides = array<i32>} : memref<8x192xi32, #tpu.memory_space<vmem>>, vector<8x192xi32>,
    return
  }
}

module attributes {stable_mosaic.version = 14 : i64} {
  func.func @_extract_body(%arg0: i32, %arg1: memref<480x128x20xf32, #tpu.memory_space<vmem>>, %arg2: memref<5x1x20xf32, #tpu.memory_space<vmem>>, %arg3: memref<5x96x128xi32, #tpu.memory_space<vmem>>, %arg4: memref<5x1x128xi32, #tpu.memory_space<vmem>>, %arg5: memref<480x128xf32, #tpu.memory_space<vmem>>, %arg6: memref<480x128xf32, #tpu.memory_space<vmem>>) attributes {dimension_semantics = [#tpu.dimension_semantics<arbitrary>], iteration_bounds = array<i64: 1>, scalar_prefetch = 0 : i64, scratch_operands = 2 : i64, tpu.core_type = #tpu.core_type<tc>, window_params = [{transform_indices = @transform_0, window_bounds = array<i64: 480, 128, 20>}, {pipeline_mode = #tpu.pipeline_mode<synchronous>, transform_indices = @transform_1, window_bounds = array<i64: 5, 1, 20>}, {pipeline_mode = #tpu.pipeline_mode<synchronous>, transform_indices = @transform_2, window_bounds = array<i64: 5, 96, 128>}, {pipeline_mode = #tpu.pipeline_mode<synchronous>, transform_indices = @transform_3, window_bounds = array<i64: 5, 1, 128>}]} {
    %get3A = arith.constant 0 : index
    %get3A_0 = arith.constant 0 : index
    %get3A_1 = arith.constant 0 : index
    %get3A_2 = vector.load %arg1[%get3A, %get3A_0, %get3A_1] : memref<480x128x20xf32, #tpu.memory_space<vmem>>, vector<96x128x20xf32>
    %get3A_3 = arith.constant 0 : index
    %get3A_4 = arith.constant 0 : index
    %get3A_5 = arith.constant 0 : index
    %get3A_6 = vector.load %arg2[%get3A_3, %get3A_4, %get3A_5] : memref<5x1x20xf32, #tpu.memory_space<vmem>>, vector<1x1x20xf32>
    %sub3A = vector.broadcast %get3A_6 : vector<1x1x20xf32> to vector<96x128x20xf32>
    %sub3A_7 = arith.subf %get3A_2, %sub3A : vector<96x128x20xf32>
    %mul3A = arith.mulf %sub3A_7, %sub3A_7 : vector<96x128x20xf32>
    %reduce_sum3A = arith.constant dense<0.000000e+00> : vector<96x128xf32>
    %reduce_sum3A_8 = vector.multi_reduction <add>, %mul3A, %reduce_sum3A [2] : vector<96x128x20xf32> to vector<96x128xf32>
    %sqrt3A = math.sqrt %reduce_sum3A_8 : vector<96x128xf32>
    %swap3A = arith.constant 0 : index
    %swap3A_9 = arith.constant 0 : index
    %swap3A_10 = vector.load %arg5[%swap3A, %swap3A_9] : memref<480x128xf32, #tpu.memory_space<vmem>>, vector<96x128xf32>
    tpu.vector_store %arg5[%swap3A, %swap3A_9], %sqrt3A {strides = array<i32>} : memref<480x128xf32, #tpu.memory_space<vmem>>, vector<96x128xf32>,
    %get3A_11 = arith.constant 96 : index
    %get3A_12 = arith.constant 0 : index
    %get3A_13 = arith.constant 0 : index
    %get3A_14 = vector.load %arg1[%get3A_11, %get3A_12, %get3A_13] : memref<480x128x20xf32, #tpu.memory_space<vmem>>, vector<96x128x20xf32>
    %get3A_15 = arith.constant 1 : index
    %get3A_16 = arith.constant 0 : index
    %get3A_17 = arith.constant 0 : index
    %get3A_18 = vector.load %arg2[%get3A_15, %get3A_16, %get3A_17] : memref<5x1x20xf32, #tpu.memory_space<vmem>>, vector<1x1x20xf32>
    %sub3A_19 = vector.broadcast %get3A_18 : vector<1x1x20xf32> to vector<96x128x20xf32>
    %sub3A_20 = arith.subf %get3A_14, %sub3A_19 : vector<96x128x20xf32>
    %mul3A_21 = arith.mulf %sub3A_20, %sub3A_20 : vector<96x128x20xf32>
    %reduce_sum3A_22 = arith.constant dense<0.000000e+00> : vector<96x128xf32>
    %reduce_sum3A_23 = vector.multi_reduction <add>, %mul3A_21, %reduce_sum3A_22 [2] : vector<96x128x20xf32> to vector<96x128xf32>
    %sqrt3A_24 = math.sqrt %reduce_sum3A_23 : vector<96x128xf32>
    %swap3A_25 = arith.constant 96 : index
    %swap3A_26 = arith.constant 0 : index
    %swap3A_27 = vector.load %arg5[%swap3A_25, %swap3A_26] : memref<480x128xf32, #tpu.memory_space<vmem>>, vector<96x128xf32>
    tpu.vector_store %arg5[%swap3A_25, %swap3A_26], %sqrt3A_24 {strides = array<i32>} : memref<480x128xf32, #tpu.memory_space<vmem>>, vector<96x128xf32>,
    %get3A_28 = arith.constant 192 : index
    %get3A_29 = arith.constant 0 : index
    %get3A_30 = arith.constant 0 : index
    %get3A_31 = vector.load %arg1[%get3A_28, %get3A_29, %get3A_30] : memref<480x128x20xf32, #tpu.memory_space<vmem>>, vector<96x128x20xf32>
    %get3A_32 = arith.constant 2 : index
    %get3A_33 = arith.constant 0 : index
    %get3A_34 = arith.constant 0 : index
    %get3A_35 = vector.load %arg2[%get3A_32, %get3A_33, %get3A_34] : memref<5x1x20xf32, #tpu.memory_space<vmem>>, vector<1x1x20xf32>
    %sub3A_36 = vector.broadcast %get3A_35 : vector<1x1x20xf32> to vector<96x128x20xf32>
    %sub3A_37 = arith.subf %get3A_31, %sub3A_36 : vector<96x128x20xf32>
    %mul3A_38 = arith.mulf %sub3A_37, %sub3A_37 : vector<96x128x20xf32>
    %reduce_sum3A_39 = arith.constant dense<0.000000e+00> : vector<96x128xf32>
    %reduce_sum3A_40 = vector.multi_reduction <add>, %mul3A_38, %reduce_sum3A_39 [2] : vector<96x128x20xf32> to vector<96x128xf32>
    %sqrt3A_41 = math.sqrt %reduce_sum3A_40 : vector<96x128xf32>
    %swap3A_42 = arith.constant 192 : index
    %swap3A_43 = arith.constant 0 : index
    %swap3A_44 = vector.load %arg5[%swap3A_42, %swap3A_43] : memref<480x128xf32, #tpu.memory_space<vmem>>, vector<96x128xf32>
    tpu.vector_store %arg5[%swap3A_42, %swap3A_43], %sqrt3A_41 {strides = array<i32>} : memref<480x128xf32, #tpu.memory_space<vmem>>, vector<96x128xf32>,
    %get3A_45 = arith.constant 288 : index
    %get3A_46 = arith.constant 0 : index
    %get3A_47 = arith.constant 0 : index
    %get3A_48 = vector.load %arg1[%get3A_45, %get3A_46, %get3A_47] : memref<480x128x20xf32, #tpu.memory_space<vmem>>, vector<96x128x20xf32>
    %get3A_49 = arith.constant 3 : index
    %get3A_50 = arith.constant 0 : index
    %get3A_51 = arith.constant 0 : index
    %get3A_52 = vector.load %arg2[%get3A_49, %get3A_50, %get3A_51] : memref<5x1x20xf32, #tpu.memory_space<vmem>>, vector<1x1x20xf32>
    %sub3A_53 = vector.broadcast %get3A_52 : vector<1x1x20xf32> to vector<96x128x20xf32>
    %sub3A_54 = arith.subf %get3A_48, %sub3A_53 : vector<96x128x20xf32>
    %mul3A_55 = arith.mulf %sub3A_54, %sub3A_54 : vector<96x128x20xf32>
    %reduce_sum3A_56 = arith.constant dense<0.000000e+00> : vector<96x128xf32>
    %reduce_sum3A_57 = vector.multi_reduction <add>, %mul3A_55, %reduce_sum3A_56 [2] : vector<96x128x20xf32> to vector<96x128xf32>
    %sqrt3A_58 = math.sqrt %reduce_sum3A_57 : vector<96x128xf32>
    %swap3A_59 = arith.constant 288 : index
    %swap3A_60 = arith.constant 0 : index
    %swap3A_61 = vector.load %arg5[%swap3A_59, %swap3A_60] : memref<480x128xf32, #tpu.memory_space<vmem>>, vector<96x128xf32>
    tpu.vector_store %arg5[%swap3A_59, %swap3A_60], %sqrt3A_58 {strides = array<i32>} : memref<480x128xf32, #tpu.memory_space<vmem>>, vector<96x128xf32>,
    %get3A_62 = arith.constant 384 : index
    %get3A_63 = arith.constant 0 : index
    %get3A_64 = arith.constant 0 : index
    %get3A_65 = vector.load %arg1[%get3A_62, %get3A_63, %get3A_64] : memref<480x128x20xf32, #tpu.memory_space<vmem>>, vector<96x128x20xf32>
    %get3A_66 = arith.constant 4 : index
    %get3A_67 = arith.constant 0 : index
    %get3A_68 = arith.constant 0 : index
    %get3A_69 = vector.load %arg2[%get3A_66, %get3A_67, %get3A_68] : memref<5x1x20xf32, #tpu.memory_space<vmem>>, vector<1x1x20xf32>
    %sub3A_70 = vector.broadcast %get3A_69 : vector<1x1x20xf32> to vector<96x128x20xf32>
    %sub3A_71 = arith.subf %get3A_65, %sub3A_70 : vector<96x128x20xf32>
    %mul3A_72 = arith.mulf %sub3A_71, %sub3A_71 : vector<96x128x20xf32>
    %reduce_sum3A_73 = arith.constant dense<0.000000e+00> : vector<96x128xf32>
    %reduce_sum3A_74 = vector.multi_reduction <add>, %mul3A_72, %reduce_sum3A_73 [2] : vector<96x128x20xf32> to vector<96x128xf32>
    %sqrt3A_75 = math.sqrt %reduce_sum3A_74 : vector<96x128xf32>
    %swap3A_76 = arith.constant 384 : index
    %swap3A_77 = arith.constant 0 : index
    %swap3A_78 = vector.load %arg5[%swap3A_76, %swap3A_77] : memref<480x128xf32, #tpu.memory_space<vmem>>, vector<96x128xf32>
    tpu.vector_store %arg5[%swap3A_76, %swap3A_77], %sqrt3A_75 {strides = array<i32>} : memref<480x128xf32, #tpu.memory_space<vmem>>, vector<96x128xf32>,
    %broadcast_in_dim3A = arith.constant 0.000000e+00 : f32
    %broadcast_in_dim3A_79 = vector.broadcast %broadcast_in_dim3A : f32 to vector<480x128xf32>
    %swap3A_80 = arith.constant 0 : index
    %swap3A_81 = arith.constant 0 : index
    %swap3A_82 = vector.load %arg6[%swap3A_80, %swap3A_81] : memref<480x128xf32, #tpu.memory_space<vmem>>, vector<480x128xf32>
    tpu.vector_store %arg6[%swap3A_80, %swap3A_81], %broadcast_in_dim3A_79 {strides = array<i32>} : memref<480x128xf32, #tpu.memory_space<vmem>>, vector<480x128xf32>,
    %get3A_83 = arith.constant 0 : index
    %get3A_84 = arith.constant 0 : index
    %get3A_85 = arith.constant 0 : index
    %get3A_86 = vector.load %arg3[%get3A_83, %get3A_84, %get3A_85] : memref<5x96x128xi32, #tpu.memory_space<vmem>>, vector<5x96x128xi32>
    %iota3A = tpu.iota {dimensions = array<i32: 2>} : vector<5x1x128xi32>
    %broadcast_in_dim3A_87 = arith.constant 0 : i32
    %broadcast_in_dim3A_88 = vector.broadcast %broadcast_in_dim3A_87 : i32 to vector<5x1x128xi32>
    %scan3A = arith.constant 0x7F800000 : f32
    %scan3A_89 = arith.constant 2147483647 : i32
    %scan3A_90 = arith.constant 0 : i32
    %scan3A_91 = arith.constant 128 : i32
    %scan3A_92 = arith.addi %scan3A_90, %scan3A_91 : i32
    %scan3A_93 = arith.constant 1 : i32
    %scan3A_94 = scf.for %scan3A_100 = %scan3A_90 to %scan3A_92 step %scan3A_93 iter_args(%scan3A_101 = %broadcast_in_dim3A_88) -> (vector<5x1x128xi32>)  : i32 {
      %get3A_102 = arith.constant 0 : index
      %get3A_103 = arith.constant 0 : index
      %get3A_104 = vector.load %arg5[%get3A_102, %get3A_103] : memref<480x128xf32, #tpu.memory_space<vmem>>, vector<480x128xf32>
      %reshape3A = vector.shape_cast %get3A_104 : vector<480x128xf32> to vector<5x96x128xf32>
      %get3A_105 = arith.constant 0 : index
      %get3A_106 = arith.constant 0 : index
      %get3A_107 = vector.load %arg6[%get3A_105, %get3A_106] : memref<480x128xf32, #tpu.memory_space<vmem>>, vector<480x128xf32>
      %reshape3A_108 = vector.shape_cast %get3A_107 : vector<480x128xf32> to vector<5x96x128xf32>
      %gt3A = arith.constant 0.000000e+00 : f32
      %gt3A_109 = vector.broadcast %gt3A : f32 to vector<5x96x128xf32>
      %gt3A_110 = arith.cmpf ogt, %reshape3A_108, %gt3A_109 : vector<5x96x128xf32>
      %broadcast_in_dim3A_111 = vector.broadcast %scan3A : f32 to vector<5x96x128xf32>
      %select_n3A = arith.select %gt3A_110, %broadcast_in_dim3A_111, %reshape3A : vector<5x96x128xi1>, vector<5x96x128xf32>
      %reduce_min3A = arith.constant dense<0x7F800000> : vector<5xf32>
      %reduce_min3A_112 = vector.multi_reduction <minimumf>, %select_n3A, %reduce_min3A [1, 2] : vector<5x96x128xf32> to vector<5xf32>
      %broadcast_in_dim3A_113 = vector.shape_cast %reduce_min3A_112 : vector<5xf32> to vector<5x1x1xf32>
      %eq3A = vector.broadcast %broadcast_in_dim3A_113 : vector<5x1x1xf32> to vector<5x96x128xf32>
      %eq3A_114 = arith.cmpf oeq, %select_n3A, %eq3A : vector<5x96x128xf32>
      %broadcast_in_dim3A_115 = vector.broadcast %scan3A_89 : i32 to vector<5x96x128xi32>
      %select_n3A_116 = arith.select %eq3A_114, %get3A_86, %broadcast_in_dim3A_115 : vector<5x96x128xi1>, vector<5x96x128xi32>
      %reduce_min3A_117 = arith.constant dense<2147483647> : vector<5xi32>
      %reduce_min3A_118 = vector.multi_reduction <minsi>, %select_n3A_116, %reduce_min3A_117 [1, 2] : vector<5x96x128xi32> to vector<5xi32>
      %broadcast_in_dim3A_119 = vector.shape_cast %reduce_min3A_118 : vector<5xi32> to vector<5x1x1xi32>
      %eq3A_120 = vector.broadcast %broadcast_in_dim3A_113 : vector<5x1x1xf32> to vector<5x96x128xf32>
      %eq3A_121 = arith.cmpf oeq, %reshape3A, %eq3A_120 : vector<5x96x128xf32>
      %eq3A_122 = vector.broadcast %broadcast_in_dim3A_119 : vector<5x1x1xi32> to vector<5x96x128xi32>
      %eq3A_123 = arith.cmpi eq, %get3A_86, %eq3A_122 : vector<5x96x128xi32>
      %and3A = arith.andi %eq3A_121, %eq3A_123 : vector<5x96x128xi1>
      %jit3A = arith.constant 1.000000e+00 : f32
      %jit3A_124 = arith.constant 0.000000e+00 : f32
      %broadcast_in_dim3A_125 = vector.broadcast %jit3A : f32 to vector<5x96x128xf32>
      %broadcast_in_dim3A_126 = vector.broadcast %jit3A_124 : f32 to vector<5x96x128xf32>
      %select_n3A_127 = arith.select %and3A, %broadcast_in_dim3A_125, %broadcast_in_dim3A_126 : vector<5x96x128xi1>, vector<5x96x128xf32>
      %max3A = arith.maximumf %reshape3A_108, %select_n3A_127 : vector<5x96x128xf32>
      %reshape3A_128 = vector.shape_cast %max3A : vector<5x96x128xf32> to vector<480x128xf32>
      %swap3A_129 = arith.constant 0 : index
      %swap3A_130 = arith.constant 0 : index
      %swap3A_131 = vector.load %arg6[%swap3A_129, %swap3A_130] : memref<480x128xf32, #tpu.memory_space<vmem>>, vector<480x128xf32>
      tpu.vector_store %arg6[%swap3A_129, %swap3A_130], %reshape3A_128 {strides = array<i32>} : memref<480x128xf32, #tpu.memory_space<vmem>>, vector<480x128xf32>,
      %eq3A_132 = vector.broadcast %scan3A_100 : i32 to vector<5x1x128xi32>
      %eq3A_133 = arith.cmpi eq, %iota3A, %eq3A_132 : vector<5x1x128xi32>
      %jit3A_134 = arith.constant 0 : i32
      %broadcast_in_dim3A_135 = vector.shape_cast %broadcast_in_dim3A_119 : vector<5x1x1xi32> to vector<5x1x1xi32>
      %broadcast_in_dim3A_136 = vector.broadcast %broadcast_in_dim3A_135 : vector<5x1x1xi32> to vector<5x1x128xi32>
      %broadcast_in_dim3A_137 = vector.broadcast %jit3A_134 : i32 to vector<5x1x128xi32>
      %select_n3A_138 = arith.select %eq3A_133, %broadcast_in_dim3A_136, %broadcast_in_dim3A_137 : vector<5x1x128xi1>, vector<5x1x128xi32>
      %add3A = arith.addi %scan3A_101, %select_n3A_138 : vector<5x1x128xi32>
      scf.yield %add3A : vector<5x1x128xi32>
    }
    %scan3A_95 = arith.constant 128 : i32
    %swap3A_96 = arith.constant 0 : index
    %swap3A_97 = arith.constant 0 : index
    %swap3A_98 = arith.constant 0 : index
    %swap3A_99 = vector.load %arg4[%swap3A_96, %swap3A_97, %swap3A_98] : memref<5x1x128xi32, #tpu.memory_space<vmem>>, vector<5x1x128xi32>
    tpu.vector_store %arg4[%swap3A_96, %swap3A_97, %swap3A_98], %scan3A_94 {strides = array<i32>} : memref<5x1x128xi32, #tpu.memory_space<vmem>>, vector<5x1x128xi32>,
    return
  }
  func.func @transform_0(%arg0: i32) -> (i32, i32, i32) {
    %c0_i32 = arith.constant 0 : i32
    %c0_i32_0 = arith.constant 0 : i32
    %c0_i32_1 = arith.constant 0 : i32
    %c0_i32_2 = arith.constant 0 : i32
    return %c0_i32, %c0_i32_0, %c0_i32_1 : i32, i32, i32
  }
  func.func @transform_1(%arg0: i32) -> (i32, i32, i32) {
    %c0_i32 = arith.constant 0 : i32
    %c0_i32_0 = arith.constant 0 : i32
    %c0_i32_1 = arith.constant 0 : i32
    %c0_i32_2 = arith.constant 0 : i32
    return %c0_i32, %c0_i32_0, %c0_i32_1 : i32, i32, i32
  }
  func.func @transform_2(%arg0: i32) -> (i32, i32, i32) {
    %c0_i32 = arith.constant 0 : i32
    %c0_i32_0 = arith.constant 0 : i32
    %c0_i32_1 = arith.constant 0 : i32
    %c0_i32_2 = arith.constant 0 : i32
    return %c0_i32, %c0_i32_0, %c0_i32_1 : i32, i32, i32
  }
  func.func @transform_3(%arg0: i32) -> (i32, i32, i32) {
    %c0_i32 = arith.constant 0 : i32
    %c0_i32_0 = arith.constant 0 : i32
    %c0_i32_1 = arith.constant 0 : i32
    %c0_i32_2 = arith.constant 0 : i32
    return %c0_i32, %c0_i32_0, %c0_i32_1 : i32, i32, i32
  }
}

module attributes {stable_mosaic.version = 14 : i64} {
  func.func @_rowgather_body(%arg0: i32, %arg1: memref<12288x20xf32, #tpu.memory_space<vmem>>, %arg2: memref<1x1x128xi32, #tpu.memory_space<vmem>>, %arg3: memref<1x1x12288xi32, #tpu.memory_space<vmem>>, %arg4: memref<128x20xf32, #tpu.memory_space<vmem>>) attributes {dimension_semantics = [#tpu.dimension_semantics<arbitrary>], iteration_bounds = array<i64: 5>, scalar_prefetch = 0 : i64, scratch_operands = 0 : i64, tpu.core_type = #tpu.core_type<tc>, window_params = [{transform_indices = @transform_0, window_bounds = array<i64: 12288, 20>}, {transform_indices = @transform_1, window_bounds = array<i64: 1, 1, 128>}, {transform_indices = @transform_2, window_bounds = array<i64: 1, 1, 12288>}, {transform_indices = @transform_3, window_bounds = array<i64: 128, 20>}]} {
    %get3A = arith.constant 0 : index
    %get3A_0 = arith.constant 0 : index
    %get3A_1 = arith.constant 0 : index
    %get3A_2 = vector.load %arg2[%get3A, %get3A_0, %get3A_1] : memref<1x1x128xi32, #tpu.memory_space<vmem>>, vector<1x1x128xi32>
    %get3A_3 = vector.shape_cast %get3A_2 : vector<1x1x128xi32> to vector<1x128xi32>
    %transpose3A = tpu.transpose %get3A_3, [1, 0] : vector<1x128xi32> -> vector<128x1xi32>
    %get3A_4 = arith.constant 0 : index
    %get3A_5 = arith.constant 0 : index
    %get3A_6 = arith.constant 0 : index
    %get3A_7 = vector.load %arg3[%get3A_4, %get3A_5, %get3A_6] : memref<1x1x12288xi32, #tpu.memory_space<vmem>>, vector<1x1x12288xi32>
    %get3A_8 = vector.shape_cast %get3A_7 : vector<1x1x12288xi32> to vector<1x12288xi32>
    %eq3A = vector.broadcast %transpose3A : vector<128x1xi32> to vector<128x12288xi32>
    %eq3A_9 = vector.broadcast %get3A_8 : vector<1x12288xi32> to vector<128x12288xi32>
    %eq3A_10 = arith.cmpi eq, %eq3A, %eq3A_9 : vector<128x12288xi32>
    %jit3A = arith.constant 1.000000e+00 : f32
    %jit3A_11 = arith.constant 0.000000e+00 : f32
    %broadcast_in_dim3A = vector.broadcast %jit3A : f32 to vector<128x12288xf32>
    %broadcast_in_dim3A_12 = vector.broadcast %jit3A_11 : f32 to vector<128x12288xf32>
    %select_n3A = arith.select %eq3A_10, %broadcast_in_dim3A, %broadcast_in_dim3A_12 : vector<128x12288xi1>, vector<128x12288xf32>
    %get3A_13 = arith.constant 0 : index
    %get3A_14 = arith.constant 0 : index
    %get3A_15 = vector.load %arg1[%get3A_13, %get3A_14] : memref<12288x20xf32, #tpu.memory_space<vmem>>, vector<12288x20xf32>
    %dot_general3A = arith.constant dense<0.000000e+00> : vector<128x20xf32>
    %dot_general3A_16 = tpu.matmul %select_n3A, %get3A_15, %dot_general3A {dimension_numbers = #tpu.dot_dimension_numbers<[1], [0], [0], [1], [0, 0, 1, 1], [], []>, precision = #tpu.contract_precision<fp32>, transpose_lhs_hint = false} : vector<128x12288xf32>, vector<12288x20xf32>, vector<128x20xf32> -> vector<128x20xf32>
    %swap3A = arith.constant 0 : index
    %swap3A_17 = arith.constant 0 : index
    %swap3A_18 = vector.load %arg4[%swap3A, %swap3A_17] : memref<128x20xf32, #tpu.memory_space<vmem>>, vector<128x20xf32>
    tpu.vector_store %arg4[%swap3A, %swap3A_17], %dot_general3A_16 {strides = array<i32>} : memref<128x20xf32, #tpu.memory_space<vmem>>, vector<128x20xf32>,
    return
  }
  func.func @transform_0(%arg0: i32) -> (i32, i32) {
    %c0_i32 = arith.constant 0 : i32
    %c0_i32_0 = arith.constant 0 : i32
    return %arg0, %c0_i32 : i32, i32
  }
  func.func @transform_1(%arg0: i32) -> (i32, i32, i32) {
    %c0_i32 = arith.constant 0 : i32
    %c0_i32_0 = arith.constant 0 : i32
    %c0_i32_1 = arith.constant 0 : i32
    return %arg0, %c0_i32, %c0_i32_0 : i32, i32, i32
  }
  func.func @transform_2(%arg0: i32) -> (i32, i32, i32) {
    %c0_i32 = arith.constant 0 : i32
    %c0_i32_0 = arith.constant 0 : i32
    %c0_i32_1 = arith.constant 0 : i32
    return %arg0, %c0_i32, %c0_i32_0 : i32, i32, i32
  }
  func.func @transform_3(%arg0: i32) -> (i32, i32) {
    %c0_i32 = arith.constant 0 : i32
    %c0_i32_0 = arith.constant 0 : i32
    return %arg0, %c0_i32 : i32, i32
  }
}

</mosaic_0001>

<sc_bundles>
// kernel: kernel.7.cloned.1.call-start
scs
__scs_entry_jumppad:
0x0: {  	(pc) =	sbr.rel $0x88, $3  }
0x1: {  	(tag) =	ssettag $0x0;
	lr =	simm.s32 $0x1  }
0x2: {  	[smem:$0x3F99] =	sst lr;
	_ =	strace $0xD0000000  }
0x3: {  	_ = 	snop  }
0x4: {  	_ = 	snop  }
0x5: {  	_ = 	snop  }
0x6: {  	_ = 	snop  }
0x7: {  	_ = 	snop  }
__scs_overlays_trampoline_lowered:
0x8: {  	[smem:$0x3FA8] =	sst s0  }
0x9: {  	[smem:$0x3FA9] =	sst s1  }
0xa: {  	[smem:$0x3FAA] =	sst s2  }
0xb: {  	[smem:$0x3FAB] =	sst s3  }
0xc: {  	[smem:$0x3FAC] =	sst s4  }
0xd: {  	[smem:$0x3FAD] =	sst s5  }
0xe: {  	[smem:$0x3FAE] =	sst s6  }
0xf: {  	[smem:$0x3FAF] =	sst s7  }
0x10: {  	[smem:$0x3FB0] =	sst s8  }
0x11: {  	[smem:$0x3FB1] =	sst s9;
	s0 =	simm.s32 @!p0 $0x0  }
0x12: {  	s1 =	sld [smem:$0x3F97];
	s0 =	simm.s32 @p0 $0x1  }
0x13: {  	[smem:$0x3FB2] =	sst s0;
	s0 =	simm.s32 @!p1 $0x0  }
0x14: {  	s2 =	sld [smem:$0x3F96];
	s0 =	simm.s32 @p1 $0x1  }
0x15: {  	[smem:$0x3FB3] =	sst s0;
	s0 =	simm.s32 @!p2 $0x0  }
0x16: {  	s3 =	sld [smem:$0x3FDB];
	s0 =	simm.s32 @p2 $0x1  }
0x17: {  	s4 =	simm.s32 $0x1BF5;
	[smem:$0x3FB5] =	sst s0  }
0x18: {  	s0 =	sld [smem:$0x3F98];
	_ =	swait.ge [sflag:s4], $0x0  }
0x19: {  	s7 =	sld [smem:$0x3F99]  }
0x1a: {  	s8 =	sadd.s32 $0xFFFFE003, lr  }
0x1b: {  	s9 =	sadd.s32 $0xFFFFFEF7, lr;
	s5 =	simm.s32 $0xFFFFFFFF;
	p2 =	slt.u32 s8, $0xFFFFF086  }
0x1c: {  	p1 =	slt.u32 s9, $0xF7A;
	s5 =	simm.s32 @!p2 $0x0  }
0x1d: {  	s5 =	simm.s32 @p1 $0x1;
	p0 =	seq.s32 s7, s2  }
0x1e: {  	s7 =	smul.u32 @!p0 $0xF7A, s2;
	p2 =	seq.s32 @!p0 s5, $0x0  }
0x1f: {  	s9 =	smul.u32 $0xF7A, s1;
	s8 =	simm.s32 @!p0 $0x1BF5;
	p2 =	por !p2, p0  }
0x20: {  	[sflag:s8] =	ssyncset.s32 @!p0 $0xFFFFF086;
	s6 =	sadd.s32 @!p0 s3, s7;
	s7 =	simm.s32 @!p0 $0x108  }
0x21: {  	s3 =	sadd.s32 s3, s9;
	s6 =	sadd.s32 @!p0 $0x88, s6;
	s7 =	simm.s32 @p2 $0x1082  }
0x22: {  	[simem:s7], [sflag:s8] =	dma.local @!p0 [hbm:s6], $0xF7A  }
0x23: {  	s9 =	sor.u32 $0xD0000000, s2;
	s6 =	simm.s32 $0x108;
	_ =	swait.ge @!p0 [sflag:s8], $0x0  }
0x24: {  	s3 =	sadd.s32 $0x88, s3;
	s6 =	simm.s32 @!p1 $0x1082;
	[sflag:s4] =	ssyncset.s32 $0xFFFFF086  }
0x25: {  	[simem:s6], [sflag:s4] =	dma.local [hbm:s3], $0xF7A  }
0x26: {  	[smem:$0x3F99] =	sst s1;
	(tag) =	ssettag s2;
	_ =	strace s9  }
0x27: {  	s1 =	sld [smem:$0x3FA9]  }
0x28: {  	s2 =	sld [smem:$0x3FAA]  }
0x29: {  	s4 =	sld [smem:$0x3FAC]  }
0x2a: {  	p0 =	seq.s32 s5, $0x0;
	s5 =	sld [smem:$0x3FAD]  }
0x2b: {  	s6 =	sld [smem:$0x3FAE]  }
0x2c: {  	s7 =	sld [smem:$0x3FAF]  }
0x2d: {  	s3 =	simm.s32 $0x108;
	s8 =	sld [smem:$0x3FB0]  }
0x2e: {  	s3 =	simm.s32 @!p0 $0x1082;
	s9 =	sld [smem:$0x3FB1]  }
0x2f: {  	lr =	sadd.s32 s0, s3;
	s0 =	sld [smem:$0x3FA8]  }
0x30: {  	s3 =	sld [smem:$0x3FAB]  }
0x31: {  	[smem:$0x3FB4] =	sst s10  }
0x32: {  	s10 =	sld [smem:$0x3FB2];
	_ =	sdelay $0x3  }
0x33: {  	p0 =	seq.s32 s10, $0x1;
	s10 =	sld [smem:$0x3FB4];
	_ =	sdelay $0x3  }
0x34: {  	[smem:$0x3FB4] =	sst s10  }
0x35: {  	s10 =	sld [smem:$0x3FB3];
	_ =	sdelay $0x3  }
0x36: {  	p1 =	seq.s32 s10, $0x1;
	s10 =	sld [smem:$0x3FB4];
	_ =	sdelay $0x3  }
0x37: {  	[smem:$0x3FB4] =	sst s10  }
0x38: {  	s10 =	sld [smem:$0x3FB5]  }
0x39: {  	_ = 	snop;
	(pc) =	sbr.ind lr, $3  }
0x3a: {  	_ = 	snop  }
0x3b: {  	_ = 	snop  }
0x3c: {  	p2 =	seq.s32 s10, $0x1;
	s10 =	sld [smem:$0x3FB4]  }
0x3d: {  	_ =	shalt  }
0x3e: {  	_ =	shalt  }
0x3f: {  	_ =	shalt  }
0x40: {  	_ =	shalt  }
0x41: {  	_ =	shalt  }
0x42: {  	_ =	shalt  }
0x43: {  	_ =	shalt  }
0x44: {  	_ =	shalt  }
0x45: {  	_ =	shalt  }
0x46: {  	_ =	shalt  }
0x47: {  	_ =	shalt  }
0x48: {  	_ =	shalt  }
0x49: {  	_ =	shalt  }
0x4a: {  	_ =	shalt  }
0x4b: {  	_ =	shalt  }
0x4c: {  	_ =	shalt  }
0x4d: {  	_ =	shalt  }
0x4e: {  	_ =	shalt  }
0x4f: {  	_ =	shalt  }
0x50: {  	_ =	shalt  }
0x51: {  	_ =	shalt  }
0x52: {  	_ =	shalt  }
0x53: {  	_ =	shalt  }
0x54: {  	_ =	shalt  }
0x55: {  	_ =	shalt  }
0x56: {  	_ =	shalt  }
0x57: {  	_ =	shalt  }
0x58: {  	_ =	shalt  }
0x59: {  	_ =	shalt  }
0x5a: {  	_ =	shalt  }
0x5b: {  	_ =	shalt  }
0x5c: {  	_ =	shalt  }
0x5d: {  	_ =	shalt  }
0x5e: {  	_ =	shalt  }
0x5f: {  	_ =	shalt  }
0x60: {  	_ =	shalt  }
0x61: {  	_ =	shalt  }
0x62: {  	_ =	shalt  }
0x63: {  	_ =	shalt  }
0x64: {  	_ =	shalt  }
0x65: {  	_ =	shalt  }
0x66: {  	_ =	shalt  }
0x67: {  	_ =	shalt  }
0x68: {  	_ =	shalt  }
0x69: {  	_ =	shalt  }
0x6a: {  	_ =	shalt  }
0x6b: {  	_ =	shalt  }
0x6c: {  	_ =	shalt  }
0x6d: {  	_ =	shalt  }
0x6e: {  	_ =	shalt  }
0x6f: {  	_ =	shalt  }
0x70: {  	_ =	shalt  }
0x71: {  	_ =	shalt  }
0x72: {  	_ =	shalt  }
0x73: {  	_ =	shalt  }
0x74: {  	_ =	shalt  }
0x75: {  	_ =	shalt  }
0x76: {  	_ =	shalt  }
0x77: {  	_ =	shalt  }
0x78: {  	_ =	shalt  }
0x79: {  	_ =	shalt  }
0x7a: {  	_ =	shalt  }
0x7b: {  	_ =	shalt  }
0x7c: {  	_ =	shalt  }
0x7d: {  	_ =	shalt  }
0x7e: {  	_ =	shalt  }
0x7f: {  	_ =	shalt  }
0x80: {  	_ =	shalt  }
0x81: {  	_ =	shalt  }
0x82: {  	_ =	shalt  }
0x83: {  	_ =	shalt  }
0x84: {  	_ =	shalt  }
0x85: {  	_ =	shalt  }
0x86: {  	_ =	shalt  }
0x87: {  	_ =	shalt  }
.Lfunc_end0:
.L_simem_size_0:
called_computation_lowered:
.L_overlay_start_0:
0x88: {  	s2 =	sld [smem:$0x3FD9]  }
0x89: {  	s3 =	sld [smem:$0x3FFE];
	_ =	sdelay $0x1  }
0x8a: {  	s1 =	srdreg.scid  }
0x8b: {  	s0 =	sand.u32 $0x1, s1  }
0x8c: {  	s14 =	sshll.u32 s0, $0xA;
	s2 =	sadd.s32 s3, s2  }
0x8d: {  	s2 =	sadd.s32 s2, s14  }
0x8e: {  	[smem:$0x3FC0] =	sst s2  }
0x8f: {  	_ = 	snop  }
0x90: {  	s2 =	sld [smem:$0x3FD0];
	_ =	sdelay $0x2  }
0x91: {  	s15 =	simm.s32 $0xA;
	s4 =	simm.s32 $0x10  }
0x92: {  	[smem:s4], [sflag:s15] =	dma.local [hbm:s2], $0x1  }
0x93: {  	_ =	swait.eq [sflag:s15], $0x1  }
0x94: {  	[sflag:s15] =	ssyncset.done $0x0  }
0x95: {  	[sflag:s15] =	ssyncadd.s32 $0xFFFFFFFF  }
0x96: {  	s16 =	sld [smem:$0x11];
	(tm) =	ssettm $0x1  }
0x97: {  	s17 =	sld [smem:$0x3FFB];
	_ =	sdelay $0x3  }
0x98: {  	_ =	strace s17  }
0x99: {  	s3 =	sld [smem:$0x3FFC];
	_ =	sdelay $0x3  }
0x9a: {  	_ =	strace s3  }
0x9b: {  	s3 =	sld [smem:$0x3FFD];
	_ =	sdelay $0x3  }
0x9c: {  	_ =	strace s3  }
0x9d: {  	_ =	strace $0x8FFFFFFF  }
0x9e: {  	s18 =	sld [smem:$0x3FDB];
	_ =	sdelay $0x1  }
0x9f: {  	s19 =	simm.s32 $_scs_section_size  }
0xa0: {  	s5 =	simm.s32 $_size__tile_overlayer_lowered;
	s6 =	simm.s32 $_tile_overlayer_lowered  }
0xa1: {  	s22 =	simm.s32 $0x1BFF;
	s21 =	sshll.u32 s6, $0x1;
	s3 =	sadd.s32 s19, s18  }
0xa2: {  	s7 =	simm.s32 $0x0;
	s20 =	sshll.u32 s5, $0x1;
	s5 =	sadd.s32 s21, s3  }
0xa3: {  	[timem:s7], [sflag:s22] =	dma.local [hbm:s5], s20  }
0xa4: {  	_ =	swait.ge [sflag:s22], s20  }
0xa5: {  	s4 =	ssub.s32 $0x0, s20;
	[sflag:s22] =	ssyncset.done $0x0  }
0xa6: {  	[sflag:s22] =	ssyncadd.s32 s4;
	_ =	sdelay $0x1  }
0xa7: {  	s23 =	simm.s32 $0x1B8B  }
0xa8: {  	_ =	swait.ge [sflag:s23], $0x1  }
0xa9: {  	[sflag:s23] =	ssyncset.done $0x0  }
0xaa: {  	s25 =	simm.s32 $0x1B8E;
	s24 =	sld [smem:$0x3FFE];
	[sflag:s23] =	ssyncadd.s32 $0xFFFFFFFF  }
0xab: {  	s26 =	simm.s32 $execute0_lowered;
	[smem:$0x3FD2] =	sst s25  }
0xac: {  	s5 =	sshll.u32 s26, $0x1;
	_ =	strace $0x80000046;
	[dreg:$0x1] =	wrdreg $0xFFFFFFFF  }
0xad: {  	s28 =	simm.s32 $_size_execute0_lowered;
	s3 =	sadd.s32 s3, s5;
	[dreg:$0x0] =	wrdreg $0x0  }
0xae: {  	s5 =	sshll.u32 s28, $0x1;
	[dreg:$0x2] =	wrdreg s3  }
0xaf: {  	[dreg:$0x3] =	wrdreg s5  }
0xb0: {  	[dreg:$0x4] =	wrdreg $0xC0  }
0xb1: {  	_ =	task [dreg:s7], $0x5FFFF  }
0xb2: {  	[dreg:$0x1] =	wrdreg $0xFFFFFFFF  }
0xb3: {  	[dreg:$0x0] =	wrdreg $0x60  }
0xb4: {  	[dreg:$0x2] =	wrdreg s24  }
0xb5: {  	[dreg:$0x3] =	wrdreg s16  }
0xb6: {  	[dreg:$0x4] =	wrdreg $0x9  }
0xb7: {  	_ =	task.clear_ibuf [dreg:s7], $0x5FFFF;
	_ =	strace $0x90000046  }
0xb8: {  	s29 =	simm.s32 $0x9;
	_ =	strace $0x80000048  }
0xb9: {  	_ =	swait.ge [sflag:s29], $0x1  }
0xba: {  	[sflag:s29] =	ssyncadd.s32 $0xFFFFFFFF  }
0xbb: {  	_ =	strace $0x90000048  }
0xbc: {  	_ =	sfence  }
0xbd: {  	s30 =	sld [smem:$0x0];
	_ =	sdelay $0x2  }
0xbe: {  	s31 =	sshll.u32 s1, $0xD;
	s1 =	sshrl.u32 s1, $0x2  }
0xbf: {  	s3 =	sand.u32 $0x4000, s31;
	s1 =	sadd.s32 s1, s30  }
0xc0: {  	s0 =	sor.u32 s3, s0;
	s1 =	sshll.u32 s1, $0x11  }
0xc1: {  	s0 =	sor.u32 s1, s0  }
0xc2: {  	s0 =	sadd.s32 $0x8F2B, s0  }
0xc3: {  	[sflag:s0] =	ssyncadd.remote.s32 $0x1  }
0xc4: {  	_ =	sfence.sel $0xFFFF  }
0xc5: {  	[dreg:$0x0] =	wrdreg $0xFFFFFFFF;
	(pc) =	sbr.abs _section_cstart, $3  }
0xc6: {  	[dreg:$0x1] =	wrdreg $0xFFFFFFFF  }
0xc7: {  	_ =	task.clear_ibuf [dreg:s7], $0x2FFFF;
	_ =	strace $0x9FFFFFFF  }
0xc8: {  	(tm) =	ssettm $0x7FFFFFFF  }
0xc9: {  	_ =	shalt  }
tec
execute0_lowered:
.L_overlay_start_1:
0x0: {  	(tag) =	ssettag $0x1  }
0x1: {  	s1 =	srdreg.scid;
	s7 =	rddreg [dreg:$0x0]  }
0x2: {  	s0 =	stileid.u32;
	s4 =	rddreg [dreg:$0x1];
	s2 =	simm.s32 $0x0  }
0x3: {  	s10 =	simm.s32 $0x2;
	s11 =	simm.s32 $0x80;
	s12 =	simm.s32 $0x880  }
0x4: {  	s13 =	simm.s32 $0x1080;
	s14 =	simm.s32 $0x1880;
	s15 =	simm.s32 $0x2080  }
0x5: {  	s16 =	simm.s32 $0x2880;
	s17 =	simm.s32 $0x3080;
	s18 =	simm.s32 $0x3880  }
0x6: {  	s19 =	simm.s32 $0x4080;
	s20 =	simm.s32 $0x4880;
	s21 =	simm.s32 $0x5080  }
0x7: {  	s22 =	simm.s32 $0x5880;
	s23 =	simm.s32 $0x6080;
	s24 =	simm.s32 $0x6880  }
0x8: {  	s25 =	simm.s32 $0x7080;
	s28 =	simm.s32 $0x8080;
	s29 =	simm.s32 $0x8880  }
0x9: {  	s30 =	simm.s32 $0x9080;
	s31 =	simm.s32 $0x9880;
	s1 =	sand.u32 $0x1, s1  }
0xa: {  	s3 =	sshll.u32 s0, $0x3;
	[smem:$0x7FF] =	sst s2;
	s5 =	sshll.u32 s1, $0x2  }
0xb: {  	s1 =	ssub.s32 $0x2, s1;
	_ =	strace $0x80000047;
	s5 =	sor.u32 s5, s3  }
0xc: {  	s8 =	sshrl.u32 s1, $0x1;
	s3 =	sadd.s32 $0xF43A00, s7;
	s6 =	smul.u32 $0x500, s5  }
0xd: {  	s1 =	ssub.s32 s1, s8;
	s26 =	sadd.s32 s4, s5;
	s4 =	sadd.s32 $0xF43B00, s7  }
0xe: {  	v2 =	vlaneseq.u32;
	s5 =	sadd.s32 $0xF43C00, s7;
	[dreg:$0x3] =	wrdreg s26;
	s26 =	simm.s32 $0x7880  }
0xf: {  	vm0 =	vmmov $0xffff;
	v1 =	vshrl.u32 v2, $0x3;
	s9 =	sadd.s32 s6, s7;
	s6 =	sadd.s32 $0xF43D00, s7;
	s7 =	sadd.s32 $0xF43E00, s7  }
0x10: {  	v0 =	vand.u32 $0x7, v2;
	v2 =	vor.u32 $0x8, v2;
	v1 =	vmul.u32 $0x8, v1;
	s8 =	sadd.s32 $0x1400, s9;
	s9 =	smax.u32 s1, $0x1;
	s1 =	simm.s32 $0x1  }
.LBB2_1:
0x11: {  	s0 =	rddreg [dreg:$0x3]  }
0x12: {  	[tilespmem:s2], [sflag:$0x2] =	stream.linear.gather [hbm4b:s0+s2], $0x20, $0x38;
	[tilespmem:$0xA080] =	vst v63  }
0x13: {  	_ =	swait.ge [sflag:s10], $0x20  }
0x14: {  	[sflag:s10] =	ssyncset.done $0x0  }
0x15: {  	[sflag:s10] =	ssyncadd.s32 $0xFFFFFFE0  }
0x16: {  	v3 =	vld [tilespmem:$0x0];
	_ =	sdelay $0x4  }
0x17: {  	v4 =	vshrl.u32 v3, $0x3  }
0x18: {  	v4 =	vmul.u32 $0x50, v4  }
0x19: {  	v3 =	vand.u32 $0x7, v3  }
0x1a: {  	v3 =	vor.u32 v3, v4  }
0x1b: {  	v4 =	vperm.xlane v3, v0;
	_ =	sdelay $0x1  }
0x1c: {  	v4 =	vadd.s32 v1, v4;
	_ =	sdelay $0x4  }
0x1d: {  	[tilespmem:s11], [sflag:$0x1] =	stream.indirect_vreg.gather [hbm4b:s3+s2], $0x80, v4, vm0, $0xb8;
	[tilespmem:$0xA080] =	vst v63  }
0x1e: {  	_ = 	snop  }
0x1f: {  	[tilespmem:s12], [sflag:$0x1] =	stream.indirect_vreg.gather [hbm4b:s4+s2], $0x80, v4, vm0, $0xb8;
	[tilespmem:$0xA080] =	vst v63  }
0x20: {  	v3 =	vperm.xlane v3, v2  }
0x21: {  	[tilespmem:s13], [sflag:$0x1] =	stream.indirect_vreg.gather [hbm4b:s5+s2], $0x80, v4, vm0, $0xb8;
	[tilespmem:$0xA080] =	vst v63  }
0x22: {  	v3 =	vadd.s32 v1, v3  }
0x23: {  	[tilespmem:s14], [sflag:$0x1] =	stream.indirect_vreg.gather [hbm4b:s6+s2], $0x80, v4, vm0, $0xb8;
	[tilespmem:$0xA080] =	vst v63  }
0x24: {  	_ = 	snop  }
0x25: {  	[tilespmem:s15], [sflag:$0x1] =	stream.indirect_vreg.gather [hbm4b:s7+s2], $0x80, v4, vm0, $0xb8;
	[tilespmem:$0xA080] =	vst v63  }
0x26: {  	_ = 	snop  }
0x27: {  	[tilespmem:s16], [sflag:$0x1] =	stream.indirect_vreg.gather [hbm4b:s3+s2], $0x80, v3, vm0, $0xb8;
	[tilespmem:$0xA080] =	vst v63  }
0x28: {  	_ = 	snop  }
0x29: {  	[tilespmem:s17], [sflag:$0x1] =	stream.indirect_vreg.gather [hbm4b:s4+s2], $0x80, v3, vm0, $0xb8;
	[tilespmem:$0xA080] =	vst v63  }
0x2a: {  	_ = 	snop  }
0x2b: {  	[tilespmem:s18], [sflag:$0x1] =	stream.indirect_vreg.gather [hbm4b:s5+s2], $0x80, v3, vm0, $0xb8;
	[tilespmem:$0xA080] =	vst v63  }
0x2c: {  	_ = 	snop  }
0x2d: {  	[tilespmem:s19], [sflag:$0x1] =	stream.indirect_vreg.gather [hbm4b:s6+s2], $0x80, v3, vm0, $0xb8;
	[tilespmem:$0xA080] =	vst v63  }
0x2e: {  	_ = 	snop  }
0x2f: {  	[tilespmem:s20], [sflag:$0x1] =	stream.indirect_vreg.gather [hbm4b:s7+s2], $0x80, v3, vm0, $0xb8;
	[tilespmem:$0xA080] =	vst v63  }
0x30: {  	v3 =	vld [tilespmem:$0x10];
	_ =	sdelay $0x4  }
0x31: {  	v63 =	vshrl.u32 v3, $0x3  }
0x32: {  	v4 =	vmul.u32 $0x50, v63  }
0x33: {  	v3 =	vand.u32 $0x7, v3  }
0x34: {  	v3 =	vor.u32 v3, v4  }
0x35: {  	v4 =	vperm.xlane v3, v0;
	_ =	sdelay $0x1  }
0x36: {  	v4 =	vadd.s32 v1, v4;
	_ =	sdelay $0x4  }
0x37: {  	[tilespmem:s21], [sflag:$0x1] =	stream.indirect_vreg.gather [hbm4b:s3+s2], $0x80, v4, vm0, $0xb8;
	[tilespmem:$0xA080] =	vst v63  }
0x38: {  	_ = 	snop  }
0x39: {  	[tilespmem:s22], [sflag:$0x1] =	stream.indirect_vreg.gather [hbm4b:s4+s2], $0x80, v4, vm0, $0xb8;
	[tilespmem:$0xA080] =	vst v63  }
0x3a: {  	v3 =	vperm.xlane v3, v2  }
0x3b: {  	[tilespmem:s23], [sflag:$0x1] =	stream.indirect_vreg.gather [hbm4b:s5+s2], $0x80, v4, vm0, $0xb8;
	[tilespmem:$0xA080] =	vst v63  }
0x3c: {  	v3 =	vadd.s32 v1, v3  }
0x3d: {  	[tilespmem:s24], [sflag:$0x1] =	stream.indirect_vreg.gather [hbm4b:s6+s2], $0x80, v4, vm0, $0xb8;
	[tilespmem:$0xA080] =	vst v63  }
0x3e: {  	_ = 	snop  }
0x3f: {  	[tilespmem:s25], [sflag:$0x1] =	stream.indirect_vreg.gather [hbm4b:s7+s2], $0x80, v4, vm0, $0xb8;
	[tilespmem:$0xA080] =	vst v63  }
0x40: {  	_ = 	snop  }
0x41: {  	[tilespmem:s26], [sflag:$0x1] =	stream.indirect_vreg.gather [hbm4b:s3+s2], $0x80, v3, vm0, $0xb8;
	[tilespmem:$0xA080] =	vst v63  }
0x42: {  	_ = 	snop  }
0x43: {  	[tilespmem:s28], [sflag:$0x1] =	stream.indirect_vreg.gather [hbm4b:s4+s2], $0x80, v3, vm0, $0xb8;
	[tilespmem:$0xA080] =	vst v63  }
0x44: {  	_ = 	snop  }
0x45: {  	[tilespmem:s29], [sflag:$0x1] =	stream.indirect_vreg.gather [hbm4b:s5+s2], $0x80, v3, vm0, $0xb8;
	[tilespmem:$0xA080] =	vst v63  }
0x46: {  	_ = 	snop  }
0x47: {  	[tilespmem:s30], [sflag:$0x1] =	stream.indirect_vreg.gather [hbm4b:s6+s2], $0x80, v3, vm0, $0xb8;
	[tilespmem:$0xA080] =	vst v63  }
0x48: {  	_ = 	snop  }
0x49: {  	[tilespmem:s31], [sflag:$0x1] =	stream.indirect_vreg.gather [hbm4b:s7+s2], $0x80, v3, vm0, $0xb8;
	[tilespmem:$0xA080] =	vst v63  }
0x4a: {  	_ =	swait.ge [sflag:s1], $0xA000  }
0x4b: {  	p0 =	sne.s32 s9, $0x1;
	[sflag:s1] =	ssyncset.done $0x0  }
.Ltmp0:
0x4c: {  	[sflag:s1] =	ssyncadd.s32 $0xFFFF6000;
	(pc) =	sbr.rel @p0 .LBB2_1-.Ltmp0, $4  }
0x4d: {  	[hbm4b:s8+s2] =	stream.linear.scatter [tilespmem:s11], [sflag:$0x2], $0xA000, $0x38;
	[tilespmem:$0xA080] =	vst v63  }
0x4e: {  	_ =	swait.ge [sflag:s10], $0xA000  }
0x4f: {  	[sflag:s10] =	ssyncset.done $0x0  }
0x50: {  	s9 =	sadd.s32 $0xFFFFFFFF, s9;
	[sflag:s10] =	ssyncadd.s32 $0xFFFF6000  }
0x51: {  	_ =	sfence.sel $0x180000  }
0x52: {  	[bflag:$0x0] =	sbarrier.arrive $0xFFFF  }
0x53: {  	_ =	strace $0x90000047  }
0x54: {  	s0 =	stileid.u32;
	[bflag:$0x2] =	sbarrier.arrive $0xFFFF  }
0x55: {  	p0 =	sne.s32 s0, $0x0;
	s0 =	rddreg [dreg:$0x2]  }
0x56: {  	s0 =	sadd.s32 @!p0 $0x100000, s0  }
0x57: {  	[sflag:s0] =	ssyncadd.tile.s32 @!p0 $0x1;
	_ =	shalt  }
.Lfunc_end2:
_tile_overlayer_lowered:
.L_overlay_start_2:
0x58: {  	(tag) =	ssettag $0x2  }
0x59: {  	s0 =	rddreg [dreg:$0x0];
	s2 =	stileid.u32  }
0x5a: {  	s1 =	rddreg [dreg:$0x1];
	p0 =	sne.s32 s2, $0x0  }
0x5b: {  	s3 =	rddreg [dreg:$0x2];
	[bflag:$0x3] =	sbarrier.arrive $0xFFFF;
	s2 =	simm.s32 @!p0 $0x1C02  }
0x5c: {  	[timem:s3], [sflag:s2] =	dma.local @!p0 [hbm:s0], s1  }
0x5d: {  	s0 =	simm.s32 @!p0 $0x2  }
0x5e: {  	_ =	swait.ge @!p0 [sflag:s0], s1  }
0x5f: {  	s1 =	ssub.s32 @!p0 $0x0, s1;
	[sflag:s0] =	ssyncset.done @!p0 $0x0  }
0x60: {  	[sflag:s0] =	ssyncadd.s32 @!p0 s1  }
0x61: {  	[bflag:$0x3] =	sbarrier.arrive $0xFFFF  }
0x62: {  	_ =	shalt  }

</sc_bundles>
